<compile_context>
chip_gen: v7x
topology: tpu7x:2x2x1
jax: 0.10.2.dev20260603
libtpu: 0.0.44.dev20260713+nightly
codegen_flags: <defaults>
</compile_context>

<pallas_src>
import jax
import jax.numpy as jnp
from jax import lax
from jax.experimental import pallas as pl
from jax.experimental.pallas import tpu as pltpu
from jax.experimental.pallas import tpu_sc as plsc

_VOCAB = 100000
_B = 4096
_M = 100
_TAB_PAD = 102400

_info = plsc.get_sparse_core_info()
_NC, _NS, _L = _info.num_cores, _info.num_subcores, _info.num_lanes
_NW = _NC * _NS
_ROWS = _B // _NW
_GROUPS = _ROWS // _L


def _sc_body(idx_hbm, tab_hbm, out_hbm, idx_v, tab_v, tab_sh, out_v,
             sem_t, sem_i):
    sid = lax.axis_index("s")
    wid = sid * _NC + lax.axis_index("c")
    base = wid * _ROWS

    cp_idx = pltpu.async_copy(idx_hbm.at[:, pl.ds(base, _ROWS)], idx_v, sem_i)

    @pl.when(sid == 0)
    def _():
        pltpu.sync_copy(tab_hbm, tab_sh)

    plsc.subcore_barrier()
    cp_tab = pltpu.async_copy(tab_sh, tab_v, sem_t)
    cp_tab.wait()
    tab_v[pl.ds(_VOCAB, _L)] = jnp.zeros((_L,), jnp.float32)
    cp_idx.wait()

    zeros = tuple(jnp.zeros((_L,), jnp.float32) for _ in range(_GROUPS))

    @plsc.parallel_loop(0, _M, unroll=4, carry=zeros)
    def accs(m, accs_in):
        out = []
        for r in range(_GROUPS):
            ids = idx_v[m, pl.ds(r * _L, _L)]
            vals = plsc.load_gather(tab_v, [ids])
            out.append(accs_in[r] + vals)
        return tuple(out)

    for r in range(_GROUPS):
        out_v[pl.ds(r * _L, _L)] = accs[r]

    pltpu.sync_copy(out_v, out_hbm.at[pl.ds(base, _ROWS)])


@jax.jit
def _sc_call(idx_t, tab):
    mesh = plsc.VectorSubcoreMesh(core_axis_name="c", subcore_axis_name="s")
    return pl.kernel(
        _sc_body,
        mesh=mesh,
        out_type=jax.ShapeDtypeStruct((_B,), jnp.float32),
        compiler_params=pltpu.CompilerParams(needs_layout_passes=False),
        scratch_types=[
            pltpu.VMEM((_M, _ROWS), jnp.int32),
            pltpu.VMEM((_TAB_PAD,), jnp.float32),
            pltpu.VMEM_SHARED((_TAB_PAD,), jnp.float32),
            pltpu.VMEM((_ROWS,), jnp.float32),
            pltpu.SemaphoreType.DMA,
            pltpu.SemaphoreType.DMA,
        ],
    )(idx_t, tab)


def kernel(inputs, table):
    tab = jnp.concatenate(
        [table, jnp.zeros((_TAB_PAD - (_VOCAB + 1), 1), jnp.float32)])
    return _sc_call(inputs.T, tab.reshape(-1))[:, None]

# --- scband reference (transcript-rebuilt; emitter-appended) ---
"""Pipeline reference for scband-sparse-linear-86397562126779 (READ-ONLY COPY).

The authoritative reference and input builder live on the scoring server;
editing this copy changes nothing except your own understanding.
"""

import jax, jax.numpy as jnp
import numpy as np

VOCAB = 100000
B = 4096
M = 100

def setup_inputs(seed: int = 0) -> dict:
    key = jax.random.key(seed)
    k1, k2 = jax.random.split(key)
    inputs = jax.random.randint(k1, (B, M), 0, VOCAB + 1, dtype=jnp.int64 if jax.config.jax_enable_x64 else jnp.int32).astype(jnp.int32)
    # linear weights table: (vocab + 1, 1). Original uses zeros init; use randn for a
    # numerically meaningful reference.
    table = jax.random.normal(k2, (VOCAB + 1, 1), dtype=jnp.float32) * 0.01
    return {"inputs": inputs, "table": table}

def reference(inputs, table):
    # linear weights lookup: [B, M, 1]
    emb = jnp.take(table, inputs, axis=0)
    # MaskEmbedding: 1.0 for valid ids (< vocabulary_size), 0.0 for the padding id
    # (== vocabulary_size), mimicking an embedding with frozen {1,...,1,0} values.
    mask = (inputs < VOCAB).astype(jnp.float32)[..., None]
    # sum over the input_length axis -> [B, 1]
    return jnp.sum(emb * mask, axis=1)

if __name__ == "__main__":
    import jax
    _d = setup_inputs()
    print(jax.jit(kernel)(*tuple(_d.values())))

</pallas_src>

<mosaic_0001>
#map = affine_map<(d0, d1) -> (0, 0)>
#map1 = affine_map<(d0, d1) -> (0)>
module attributes {stable_mosaic.version = 14 : i64} {
  func.func @_sc_body(%arg0: i32, %arg1: i32, %arg2: memref<100x4096xi32, #tpu.memory_space<hbm>>, %arg3: memref<102400xf32, #tpu.memory_space<hbm>>, %arg4: memref<4096xf32, #tpu.memory_space<hbm>>, %arg5: memref<100x128xi32, #tpu.memory_space<vmem>>, %arg6: memref<102400xf32, #tpu.memory_space<vmem>>, %arg7: memref<102400xf32, #tpu.memory_space<vmem_shared>>, %arg8: memref<128xf32, #tpu.memory_space<vmem>>, %arg9: memref<!tpu.dma_semaphore, #tpu.memory_space<semaphore_mem>>, %arg10: memref<!tpu.dma_semaphore, #tpu.memory_space<semaphore_mem>>) attributes {dimension_semantics = [#tpu.dimension_semantics<core_parallel>, #tpu.dimension_semantics<subcore_parallel>], iteration_bounds = array<i64: 2, 16>, scalar_prefetch = 0 : i64, scratch_operands = 6 : i64, tpu.core_type = #tpu.core_type<sc_vector_subcore>, window_params = [{transform_indices = #map}, {transform_indices = #map1}, {transform_indices = #map1}]} {
    %mul3A = arith.constant 2 : i32
    %mul3A_0 = arith.muli %arg1, %mul3A : i32
    %add3A = arith.addi %mul3A_0, %arg0 : i32
    %mul3A_1 = arith.constant 128 : i32
    %mul3A_2 = arith.muli %add3A, %mul3A_1 : i32
    %dma_start3A = arith.constant 0 : i32
    %dma_start3A_3 = tpu.memref_slice %arg2[%dma_start3A, %mul3A_2] : memref<100x4096xi32, #tpu.memory_space<hbm>> -> memref<100x128xi32, #tpu.memory_space<hbm>>
    %dma_start3A_4 = arith.constant 0 : i32
    %dma_start3A_5 = tpu.memref_slice %arg2[%dma_start3A_4, %mul3A_2] : memref<100x4096xi32, #tpu.memory_space<hbm>> -> memref<100x128xi32, #tpu.memory_space<hbm>>
    tpu.enqueue_dma source(%dma_start3A_5 : memref<100x128xi32, #tpu.memory_space<hbm>>) target(%arg5 : memref<100x128xi32, #tpu.memory_space<vmem>>) target_semaphore(%arg10 : memref<!tpu.dma_semaphore, #tpu.memory_space<semaphore_mem>>)
    %eq3A = arith.constant 0 : i32
    %eq3A_6 = arith.cmpi eq, %arg1, %eq3A : i32
    %convert_element_type3A = arith.extui %eq3A_6 : i1 to i32
    %cond3A = arith.constant 0 : i32
    %cond3A_7 = arith.cmpi ne, %convert_element_type3A, %cond3A : i32
    scf.if %cond3A_7 {
      "tpu.region"() ({
        %run_scoped3A = tpu.sem_alloc : memref<!tpu.dma_semaphore, #tpu.memory_space<semaphore_mem>>
        tpu.enqueue_dma source(%arg3 : memref<102400xf32, #tpu.memory_space<hbm>>) target(%arg7 : memref<102400xf32, #tpu.memory_space<vmem_shared>>) target_semaphore(%run_scoped3A : memref<!tpu.dma_semaphore, #tpu.memory_space<semaphore_mem>>)
        tpu.wait_dma2 semaphore(%run_scoped3A : memref<!tpu.dma_semaphore, #tpu.memory_space<semaphore_mem>>) src(%arg3 : memref<102400xf32, #tpu.memory_space<hbm>>) dst(%arg7 : memref<102400xf32, #tpu.memory_space<vmem_shared>>)
        tpu.yield
      }) : () -> ()
    } else {
    }
    %barrier3A = arith.constant 0 : index
    tpu.barrier barrier_id(%barrier3A)
    tpu.enqueue_dma source(%arg7 : memref<102400xf32, #tpu.memory_space<vmem_shared>>) target(%arg6 : memref<102400xf32, #tpu.memory_space<vmem>>) target_semaphore(%arg9 : memref<!tpu.dma_semaphore, #tpu.memory_space<semaphore_mem>>)
    tpu.wait_dma2 semaphore(%arg9 : memref<!tpu.dma_semaphore, #tpu.memory_space<semaphore_mem>>) src(%arg7 : memref<102400xf32, #tpu.memory_space<vmem_shared>>) dst(%arg6 : memref<102400xf32, #tpu.memory_space<vmem>>)
    %broadcast_in_dim3A = arith.constant 0.000000e+00 : f32
    %broadcast_in_dim3A_8 = vector.broadcast %broadcast_in_dim3A : f32 to vector<16xf32>
    %swap3A = arith.constant 100000 : index
    %swap3A_9 = tpu.vector_load %arg6[%swap3A] {strides = array<i32>} : memref<102400xf32, #tpu.memory_space<vmem>>, vector<16xf32>,
    tpu.vector_store %arg6[%swap3A], %broadcast_in_dim3A_8 {strides = array<i32>} : memref<102400xf32, #tpu.memory_space<vmem>>, vector<16xf32>,
    %dma_wait3A = arith.constant 0 : i32
    %dma_wait3A_10 = tpu.memref_slice %arg2[%dma_wait3A, %mul3A_2] : memref<100x4096xi32, #tpu.memory_space<hbm>> -> memref<100x128xi32, #tpu.memory_space<hbm>>
    %dma_wait3A_11 = arith.constant 0 : i32
    %dma_wait3A_12 = tpu.memref_slice %arg2[%dma_wait3A_11, %mul3A_2] : memref<100x4096xi32, #tpu.memory_space<hbm>> -> memref<100x128xi32, #tpu.memory_space<hbm>>
    tpu.wait_dma2 semaphore(%arg10 : memref<!tpu.dma_semaphore, #tpu.memory_space<semaphore_mem>>) src(%dma_wait3A_12 : memref<100x128xi32, #tpu.memory_space<hbm>>) dst(%arg5 : memref<100x128xi32, #tpu.memory_space<vmem>>)
    %broadcast_in_dim3A_13 = arith.constant 0.000000e+00 : f32
    %broadcast_in_dim3A_14 = vector.broadcast %broadcast_in_dim3A_13 : f32 to vector<16xf32>
    %broadcast_in_dim3A_15 = arith.constant 0.000000e+00 : f32
    %broadcast_in_dim3A_16 = vector.broadcast %broadcast_in_dim3A_15 : f32 to vector<16xf32>
    %broadcast_in_dim3A_17 = arith.constant 0.000000e+00 : f32
    %broadcast_in_dim3A_18 = vector.broadcast %broadcast_in_dim3A_17 : f32 to vector<16xf32>
    %broadcast_in_dim3A_19 = arith.constant 0.000000e+00 : f32
    %broadcast_in_dim3A_20 = vector.broadcast %broadcast_in_dim3A_19 : f32 to vector<16xf32>
    %broadcast_in_dim3A_21 = arith.constant 0.000000e+00 : f32
    %broadcast_in_dim3A_22 = vector.broadcast %broadcast_in_dim3A_21 : f32 to vector<16xf32>
    %broadcast_in_dim3A_23 = arith.constant 0.000000e+00 : f32
    %broadcast_in_dim3A_24 = vector.broadcast %broadcast_in_dim3A_23 : f32 to vector<16xf32>
    %broadcast_in_dim3A_25 = arith.constant 0.000000e+00 : f32
    %broadcast_in_dim3A_26 = vector.broadcast %broadcast_in_dim3A_25 : f32 to vector<16xf32>
    %broadcast_in_dim3A_27 = arith.constant 0.000000e+00 : f32
    %broadcast_in_dim3A_28 = vector.broadcast %broadcast_in_dim3A_27 : f32 to vector<16xf32>
    %parallel_loop3A = arith.constant 0 : i32
    %parallel_loop3A_29 = arith.constant 100 : i32
    %parallel_loop3A_30 = arith.constant 1 : i32
    %parallel_loop3A_31:8 = scf.for %parallel_loop3A_48 = %parallel_loop3A to %parallel_loop3A_29 step %parallel_loop3A_30 iter_args(%parallel_loop3A_49 = %broadcast_in_dim3A_14, %parallel_loop3A_50 = %broadcast_in_dim3A_16, %parallel_loop3A_51 = %broadcast_in_dim3A_18, %parallel_loop3A_52 = %broadcast_in_dim3A_20, %parallel_loop3A_53 = %broadcast_in_dim3A_22, %parallel_loop3A_54 = %broadcast_in_dim3A_24, %parallel_loop3A_55 = %broadcast_in_dim3A_26, %parallel_loop3A_56 = %broadcast_in_dim3A_28) -> (vector<16xf32>, vector<16xf32>, vector<16xf32>, vector<16xf32>, vector<16xf32>, vector<16xf32>, vector<16xf32>, vector<16xf32>)  : i32 {
      %parallel_loop3A_57 = arith.index_cast %parallel_loop3A_48 : i32 to index
      %parallel_loop3A_58 = arith.constant 0 : index
      %parallel_loop3A_59 = tpu.vector_load %arg5[%parallel_loop3A_57, %parallel_loop3A_58] {strides = array<i32>} : memref<100x128xi32, #tpu.memory_space<vmem>>, vector<16xi32>,
      %parallel_loop3A_60 = tpu.vector_load_idx %arg6[%parallel_loop3A_59] : memref<102400xf32, #tpu.memory_space<vmem>>[vector<16xi32>], vector<16xf32>,
      %parallel_loop3A_61 = arith.addf %parallel_loop3A_49, %parallel_loop3A_60 : vector<16xf32>
      %parallel_loop3A_62 = arith.index_cast %parallel_loop3A_48 : i32 to index
      %parallel_loop3A_63 = arith.constant 16 : index
      %parallel_loop3A_64 = tpu.vector_load %arg5[%parallel_loop3A_62, %parallel_loop3A_63] {strides = array<i32>} : memref<100x128xi32, #tpu.memory_space<vmem>>, vector<16xi32>,
      %parallel_loop3A_65 = tpu.vector_load_idx %arg6[%parallel_loop3A_64] : memref<102400xf32, #tpu.memory_space<vmem>>[vector<16xi32>], vector<16xf32>,
      %parallel_loop3A_66 = arith.addf %parallel_loop3A_50, %parallel_loop3A_65 : vector<16xf32>
      %parallel_loop3A_67 = arith.index_cast %parallel_loop3A_48 : i32 to index
      %parallel_loop3A_68 = arith.constant 32 : index
      %parallel_loop3A_69 = tpu.vector_load %arg5[%parallel_loop3A_67, %parallel_loop3A_68] {strides = array<i32>} : memref<100x128xi32, #tpu.memory_space<vmem>>, vector<16xi32>,
      %parallel_loop3A_70 = tpu.vector_load_idx %arg6[%parallel_loop3A_69] : memref<102400xf32, #tpu.memory_space<vmem>>[vector<16xi32>], vector<16xf32>,
      %parallel_loop3A_71 = arith.addf %parallel_loop3A_51, %parallel_loop3A_70 : vector<16xf32>
      %parallel_loop3A_72 = arith.index_cast %parallel_loop3A_48 : i32 to index
      %parallel_loop3A_73 = arith.constant 48 : index
      %parallel_loop3A_74 = tpu.vector_load %arg5[%parallel_loop3A_72, %parallel_loop3A_73] {strides = array<i32>} : memref<100x128xi32, #tpu.memory_space<vmem>>, vector<16xi32>,
      %parallel_loop3A_75 = tpu.vector_load_idx %arg6[%parallel_loop3A_74] : memref<102400xf32, #tpu.memory_space<vmem>>[vector<16xi32>], vector<16xf32>,
      %parallel_loop3A_76 = arith.addf %parallel_loop3A_52, %parallel_loop3A_75 : vector<16xf32>
      %parallel_loop3A_77 = arith.index_cast %parallel_loop3A_48 : i32 to index
      %parallel_loop3A_78 = arith.constant 64 : index
      %parallel_loop3A_79 = tpu.vector_load %arg5[%parallel_loop3A_77, %parallel_loop3A_78] {strides = array<i32>} : memref<100x128xi32, #tpu.memory_space<vmem>>, vector<16xi32>,
      %parallel_loop3A_80 = tpu.vector_load_idx %arg6[%parallel_loop3A_79] : memref<102400xf32, #tpu.memory_space<vmem>>[vector<16xi32>], vector<16xf32>,
      %parallel_loop3A_81 = arith.addf %parallel_loop3A_53, %parallel_loop3A_80 : vector<16xf32>
      %parallel_loop3A_82 = arith.index_cast %parallel_loop3A_48 : i32 to index
      %parallel_loop3A_83 = arith.constant 80 : index
      %parallel_loop3A_84 = tpu.vector_load %arg5[%parallel_loop3A_82, %parallel_loop3A_83] {strides = array<i32>} : memref<100x128xi32, #tpu.memory_space<vmem>>, vector<16xi32>,
      %parallel_loop3A_85 = tpu.vector_load_idx %arg6[%parallel_loop3A_84] : memref<102400xf32, #tpu.memory_space<vmem>>[vector<16xi32>], vector<16xf32>,
      %parallel_loop3A_86 = arith.addf %parallel_loop3A_54, %parallel_loop3A_85 : vector<16xf32>
      %parallel_loop3A_87 = arith.index_cast %parallel_loop3A_48 : i32 to index
      %parallel_loop3A_88 = arith.constant 96 : index
      %parallel_loop3A_89 = tpu.vector_load %arg5[%parallel_loop3A_87, %parallel_loop3A_88] {strides = array<i32>} : memref<100x128xi32, #tpu.memory_space<vmem>>, vector<16xi32>,
      %parallel_loop3A_90 = tpu.vector_load_idx %arg6[%parallel_loop3A_89] : memref<102400xf32, #tpu.memory_space<vmem>>[vector<16xi32>], vector<16xf32>,
      %parallel_loop3A_91 = arith.addf %parallel_loop3A_55, %parallel_loop3A_90 : vector<16xf32>
      %parallel_loop3A_92 = arith.index_cast %parallel_loop3A_48 : i32 to index
      %parallel_loop3A_93 = arith.constant 112 : index
      %parallel_loop3A_94 = tpu.vector_load %arg5[%parallel_loop3A_92, %parallel_loop3A_93] {strides = array<i32>} : memref<100x128xi32, #tpu.memory_space<vmem>>, vector<16xi32>,
      %parallel_loop3A_95 = tpu.vector_load_idx %arg6[%parallel_loop3A_94] : memref<102400xf32, #tpu.memory_space<vmem>>[vector<16xi32>], vector<16xf32>,
      %parallel_loop3A_96 = arith.addf %parallel_loop3A_56, %parallel_loop3A_95 : vector<16xf32>
      scf.yield %parallel_loop3A_61, %parallel_loop3A_66, %parallel_loop3A_71, %parallel_loop3A_76, %parallel_loop3A_81, %parallel_loop3A_86, %parallel_loop3A_91, %parallel_loop3A_96 : vector<16xf32>, vector<16xf32>, vector<16xf32>, vector<16xf32>, vector<16xf32>, vector<16xf32>, vector<16xf32>, vector<16xf32>
    } {sc.loop_unroll_factor = 4 : i64, sc.parallel_access}
    %swap3A_32 = arith.constant 0 : index
    %swap3A_33 = tpu.vector_load %arg8[%swap3A_32] {strides = array<i32>} : memref<128xf32, #tpu.memory_space<vmem>>, vector<16xf32>,
    tpu.vector_store %arg8[%swap3A_32], %parallel_loop3A_31#0 {strides = array<i32>} : memref<128xf32, #tpu.memory_space<vmem>>, vector<16xf32>,
    %swap3A_34 = arith.constant 16 : index
    %swap3A_35 = tpu.vector_load %arg8[%swap3A_34] {strides = array<i32>} : memref<128xf32, #tpu.memory_space<vmem>>, vector<16xf32>,
    tpu.vector_store %arg8[%swap3A_34], %parallel_loop3A_31#1 {strides = array<i32>} : memref<128xf32, #tpu.memory_space<vmem>>, vector<16xf32>,
    %swap3A_36 = arith.constant 32 : index
    %swap3A_37 = tpu.vector_load %arg8[%swap3A_36] {strides = array<i32>} : memref<128xf32, #tpu.memory_space<vmem>>, vector<16xf32>,
    tpu.vector_store %arg8[%swap3A_36], %parallel_loop3A_31#2 {strides = array<i32>} : memref<128xf32, #tpu.memory_space<vmem>>, vector<16xf32>,
    %swap3A_38 = arith.constant 48 : index
    %swap3A_39 = tpu.vector_load %arg8[%swap3A_38] {strides = array<i32>} : memref<128xf32, #tpu.memory_space<vmem>>, vector<16xf32>,
    tpu.vector_store %arg8[%swap3A_38], %parallel_loop3A_31#3 {strides = array<i32>} : memref<128xf32, #tpu.memory_space<vmem>>, vector<16xf32>,
    %swap3A_40 = arith.constant 64 : index
    %swap3A_41 = tpu.vector_load %arg8[%swap3A_40] {strides = array<i32>} : memref<128xf32, #tpu.memory_space<vmem>>, vector<16xf32>,
    tpu.vector_store %arg8[%swap3A_40], %parallel_loop3A_31#4 {strides = array<i32>} : memref<128xf32, #tpu.memory_space<vmem>>, vector<16xf32>,
    %swap3A_42 = arith.constant 80 : index
    %swap3A_43 = tpu.vector_load %arg8[%swap3A_42] {strides = array<i32>} : memref<128xf32, #tpu.memory_space<vmem>>, vector<16xf32>,
    tpu.vector_store %arg8[%swap3A_42], %parallel_loop3A_31#5 {strides = array<i32>} : memref<128xf32, #tpu.memory_space<vmem>>, vector<16xf32>,
    %swap3A_44 = arith.constant 96 : index
    %swap3A_45 = tpu.vector_load %arg8[%swap3A_44] {strides = array<i32>} : memref<128xf32, #tpu.memory_space<vmem>>, vector<16xf32>,
    tpu.vector_store %arg8[%swap3A_44], %parallel_loop3A_31#6 {strides = array<i32>} : memref<128xf32, #tpu.memory_space<vmem>>, vector<16xf32>,
    %swap3A_46 = arith.constant 112 : index
    %swap3A_47 = tpu.vector_load %arg8[%swap3A_46] {strides = array<i32>} : memref<128xf32, #tpu.memory_space<vmem>>, vector<16xf32>,
    tpu.vector_store %arg8[%swap3A_46], %parallel_loop3A_31#7 {strides = array<i32>} : memref<128xf32, #tpu.memory_space<vmem>>, vector<16xf32>,
    "tpu.region"() ({
      %run_scoped3A = tpu.sem_alloc : memref<!tpu.dma_semaphore, #tpu.memory_space<semaphore_mem>>
      %dma_start3A_48 = tpu.memref_slice %arg4[%mul3A_2] : memref<4096xf32, #tpu.memory_space<hbm>> -> memref<128xf32, #tpu.memory_space<hbm>>
      %dma_start3A_49 = tpu.memref_slice %arg4[%mul3A_2] : memref<4096xf32, #tpu.memory_space<hbm>> -> memref<128xf32, #tpu.memory_space<hbm>>
      tpu.enqueue_dma source(%arg8 : memref<128xf32, #tpu.memory_space<vmem>>) target(%dma_start3A_49 : memref<128xf32, #tpu.memory_space<hbm>>) target_semaphore(%run_scoped3A : memref<!tpu.dma_semaphore, #tpu.memory_space<semaphore_mem>>)
      %dma_wait3A_50 = tpu.memref_slice %arg4[%mul3A_2] : memref<4096xf32, #tpu.memory_space<hbm>> -> memref<128xf32, #tpu.memory_space<hbm>>
      %dma_wait3A_51 = tpu.memref_slice %arg4[%mul3A_2] : memref<4096xf32, #tpu.memory_space<hbm>> -> memref<128xf32, #tpu.memory_space<hbm>>
      tpu.wait_dma2 semaphore(%run_scoped3A : memref<!tpu.dma_semaphore, #tpu.memory_space<semaphore_mem>>) src(%arg8 : memref<128xf32, #tpu.memory_space<vmem>>) dst(%dma_wait3A_51 : memref<128xf32, #tpu.memory_space<hbm>>)
      tpu.yield
    }) : () -> ()
    return
  }
}

</mosaic_0001>

<sc_bundles>
// kernel: _sc_call.3.cloned.1.call-start
scs
__scs_entry_jumppad:
0x0: {  	(pc) =	sbr.rel $0x88, $3  }
0x1: {  	(tag) =	ssettag $0x0;
	lr =	simm.s32 $0x1  }
0x2: {  	[smem:$0x3F9F] =	sst lr;
	_ =	strace $0xD0000000  }
0x3: {  	_ = 	snop  }
0x4: {  	_ = 	snop  }
0x5: {  	_ = 	snop  }
0x6: {  	_ = 	snop  }
0x7: {  	_ = 	snop  }
__scs_overlays_trampoline_lowered:
0x8: {  	[smem:$0x3FAE] =	sst s0  }
0x9: {  	[smem:$0x3FAF] =	sst s1  }
0xa: {  	[smem:$0x3FB0] =	sst s2  }
0xb: {  	[smem:$0x3FB1] =	sst s3  }
0xc: {  	[smem:$0x3FB2] =	sst s4  }
0xd: {  	[smem:$0x3FB3] =	sst s5  }
0xe: {  	[smem:$0x3FB4] =	sst s6  }
0xf: {  	[smem:$0x3FB5] =	sst s7  }
0x10: {  	[smem:$0x3FB6] =	sst s8  }
0x11: {  	[smem:$0x3FB7] =	sst s9;
	s0 =	simm.s32 @!p0 $0x0  }
0x12: {  	s1 =	sld [smem:$0x3F9D];
	s0 =	simm.s32 @p0 $0x1  }
0x13: {  	[smem:$0x3FB8] =	sst s0;
	s0 =	simm.s32 @!p1 $0x0  }
0x14: {  	s2 =	sld [smem:$0x3F9C];
	s0 =	simm.s32 @p1 $0x1  }
0x15: {  	[smem:$0x3FB9] =	sst s0;
	s0 =	simm.s32 @!p2 $0x0  }
0x16: {  	s3 =	sld [smem:$0x3FDB];
	s0 =	simm.s32 @p2 $0x1  }
0x17: {  	s4 =	simm.s32 $0x1BF5;
	[smem:$0x3FBB] =	sst s0  }
0x18: {  	s0 =	sld [smem:$0x3F9E];
	_ =	swait.ge [sflag:s4], $0x0  }
0x19: {  	s7 =	sld [smem:$0x3F9F]  }
0x1a: {  	s8 =	sadd.s32 $0xFFFFE003, lr  }
0x1b: {  	s9 =	sadd.s32 $0xFFFFFEF7, lr;
	s5 =	simm.s32 $0xFFFFFFFF;
	p2 =	slt.u32 s8, $0xFFFFF086  }
0x1c: {  	p1 =	slt.u32 s9, $0xF7A;
	s5 =	simm.s32 @!p2 $0x0  }
0x1d: {  	s5 =	simm.s32 @p1 $0x1;
	p0 =	seq.s32 s7, s2  }
0x1e: {  	s7 =	smul.u32 @!p0 $0xF7A, s2;
	p2 =	seq.s32 @!p0 s5, $0x0  }
0x1f: {  	s9 =	smul.u32 $0xF7A, s1;
	s8 =	simm.s32 @!p0 $0x1BF5;
	p2 =	por !p2, p0  }
0x20: {  	[sflag:s8] =	ssyncset.s32 @!p0 $0xFFFFF086;
	s6 =	sadd.s32 @!p0 s3, s7;
	s7 =	simm.s32 @!p0 $0x108  }
0x21: {  	s3 =	sadd.s32 s3, s9;
	s6 =	sadd.s32 @!p0 $0x88, s6;
	s7 =	simm.s32 @p2 $0x1082  }
0x22: {  	[simem:s7], [sflag:s8] =	dma.local @!p0 [hbm:s6], $0xF7A  }
0x23: {  	s9 =	sor.u32 $0xD0000000, s2;
	s6 =	simm.s32 $0x108;
	_ =	swait.ge @!p0 [sflag:s8], $0x0  }
0x24: {  	s3 =	sadd.s32 $0x88, s3;
	s6 =	simm.s32 @!p1 $0x1082;
	[sflag:s4] =	ssyncset.s32 $0xFFFFF086  }
0x25: {  	[simem:s6], [sflag:s4] =	dma.local [hbm:s3], $0xF7A  }
0x26: {  	[smem:$0x3F9F] =	sst s1;
	(tag) =	ssettag s2;
	_ =	strace s9  }
0x27: {  	s1 =	sld [smem:$0x3FAF]  }
0x28: {  	s2 =	sld [smem:$0x3FB0]  }
0x29: {  	s4 =	sld [smem:$0x3FB2]  }
0x2a: {  	p0 =	seq.s32 s5, $0x0;
	s5 =	sld [smem:$0x3FB3]  }
0x2b: {  	s6 =	sld [smem:$0x3FB4]  }
0x2c: {  	s7 =	sld [smem:$0x3FB5]  }
0x2d: {  	s3 =	simm.s32 $0x108;
	s8 =	sld [smem:$0x3FB6]  }
0x2e: {  	s3 =	simm.s32 @!p0 $0x1082;
	s9 =	sld [smem:$0x3FB7]  }
0x2f: {  	lr =	sadd.s32 s0, s3;
	s0 =	sld [smem:$0x3FAE]  }
0x30: {  	s3 =	sld [smem:$0x3FB1]  }
0x31: {  	[smem:$0x3FBA] =	sst s10  }
0x32: {  	s10 =	sld [smem:$0x3FB8];
	_ =	sdelay $0x3  }
0x33: {  	p0 =	seq.s32 s10, $0x1;
	s10 =	sld [smem:$0x3FBA];
	_ =	sdelay $0x3  }
0x34: {  	[smem:$0x3FBA] =	sst s10  }
0x35: {  	s10 =	sld [smem:$0x3FB9];
	_ =	sdelay $0x3  }
0x36: {  	p1 =	seq.s32 s10, $0x1;
	s10 =	sld [smem:$0x3FBA];
	_ =	sdelay $0x3  }
0x37: {  	[smem:$0x3FBA] =	sst s10  }
0x38: {  	s10 =	sld [smem:$0x3FBB]  }
0x39: {  	_ = 	snop;
	(pc) =	sbr.ind lr, $3  }
0x3a: {  	_ = 	snop  }
0x3b: {  	_ = 	snop  }
0x3c: {  	p2 =	seq.s32 s10, $0x1;
	s10 =	sld [smem:$0x3FBA]  }
0x3d: {  	_ =	shalt  }
0x3e: {  	_ =	shalt  }
0x3f: {  	_ =	shalt  }
0x40: {  	_ =	shalt  }
0x41: {  	_ =	shalt  }
0x42: {  	_ =	shalt  }
0x43: {  	_ =	shalt  }
0x44: {  	_ =	shalt  }
0x45: {  	_ =	shalt  }
0x46: {  	_ =	shalt  }
0x47: {  	_ =	shalt  }
0x48: {  	_ =	shalt  }
0x49: {  	_ =	shalt  }
0x4a: {  	_ =	shalt  }
0x4b: {  	_ =	shalt  }
0x4c: {  	_ =	shalt  }
0x4d: {  	_ =	shalt  }
0x4e: {  	_ =	shalt  }
0x4f: {  	_ =	shalt  }
0x50: {  	_ =	shalt  }
0x51: {  	_ =	shalt  }
0x52: {  	_ =	shalt  }
0x53: {  	_ =	shalt  }
0x54: {  	_ =	shalt  }
0x55: {  	_ =	shalt  }
0x56: {  	_ =	shalt  }
0x57: {  	_ =	shalt  }
0x58: {  	_ =	shalt  }
0x59: {  	_ =	shalt  }
0x5a: {  	_ =	shalt  }
0x5b: {  	_ =	shalt  }
0x5c: {  	_ =	shalt  }
0x5d: {  	_ =	shalt  }
0x5e: {  	_ =	shalt  }
0x5f: {  	_ =	shalt  }
0x60: {  	_ =	shalt  }
0x61: {  	_ =	shalt  }
0x62: {  	_ =	shalt  }
0x63: {  	_ =	shalt  }
0x64: {  	_ =	shalt  }
0x65: {  	_ =	shalt  }
0x66: {  	_ =	shalt  }
0x67: {  	_ =	shalt  }
0x68: {  	_ =	shalt  }
0x69: {  	_ =	shalt  }
0x6a: {  	_ =	shalt  }
0x6b: {  	_ =	shalt  }
0x6c: {  	_ =	shalt  }
0x6d: {  	_ =	shalt  }
0x6e: {  	_ =	shalt  }
0x6f: {  	_ =	shalt  }
0x70: {  	_ =	shalt  }
0x71: {  	_ =	shalt  }
0x72: {  	_ =	shalt  }
0x73: {  	_ =	shalt  }
0x74: {  	_ =	shalt  }
0x75: {  	_ =	shalt  }
0x76: {  	_ =	shalt  }
0x77: {  	_ =	shalt  }
0x78: {  	_ =	shalt  }
0x79: {  	_ =	shalt  }
0x7a: {  	_ =	shalt  }
0x7b: {  	_ =	shalt  }
0x7c: {  	_ =	shalt  }
0x7d: {  	_ =	shalt  }
0x7e: {  	_ =	shalt  }
0x7f: {  	_ =	shalt  }
0x80: {  	_ =	shalt  }
0x81: {  	_ =	shalt  }
0x82: {  	_ =	shalt  }
0x83: {  	_ =	shalt  }
0x84: {  	_ =	shalt  }
0x85: {  	_ =	shalt  }
0x86: {  	_ =	shalt  }
0x87: {  	_ =	shalt  }
.Lfunc_end0:
.L_simem_size_0:
called_computation_lowered:
.L_overlay_start_0:
0x88: {  	s2 =	sld [smem:$0x3FD9]  }
0x89: {  	s3 =	sld [smem:$0x3FFE];
	_ =	sdelay $0x1  }
0x8a: {  	s1 =	srdreg.scid  }
0x8b: {  	s0 =	sand.u32 $0x1, s1  }
0x8c: {  	s18 =	sshll.u32 s0, $0xA;
	s2 =	sadd.s32 s3, s2  }
0x8d: {  	s2 =	sadd.s32 s2, s18  }
0x8e: {  	[smem:$0x3FC6] =	sst s2  }
0x8f: {  	_ = 	snop  }
0x90: {  	s2 =	sld [smem:$0x3FC9]  }
0x91: {  	s19 =	sld [smem:$0x3FC8]  }
0x92: {  	s4 =	sld [smem:$0x3FD0];
	(tm) =	ssettm $0x1  }
0x93: {  	s5 =	sld [smem:$0x3FFB];
	_ =	sdelay $0x3  }
0x94: {  	_ =	strace s5  }
0x95: {  	s5 =	sld [smem:$0x3FFC];
	_ =	sdelay $0x3  }
0x96: {  	_ =	strace s5  }
0x97: {  	s5 =	sld [smem:$0x3FFD];
	_ =	sdelay $0x3  }
0x98: {  	_ =	strace s5  }
0x99: {  	_ =	strace $0x8FFFFFFF  }
0x9a: {  	s20 =	sld [smem:$0x3FDB];
	_ =	sdelay $0x1  }
0x9b: {  	s6 =	simm.s32 $_scs_section_size  }
0x9c: {  	s7 =	simm.s32 $_size__tile_overlayer_lowered;
	s8 =	simm.s32 $_tile_overlayer_lowered  }
0x9d: {  	s23 =	simm.s32 $0x1BFF;
	s22 =	sshll.u32 s8, $0x1;
	s5 =	sadd.s32 s6, s20  }
0x9e: {  	s9 =	simm.s32 $0x0;
	s21 =	sshll.u32 s7, $0x1;
	s7 =	sadd.s32 s22, s5  }
0x9f: {  	[timem:s9], [sflag:s23] =	dma.local [hbm:s7], s21  }
0xa0: {  	_ =	swait.ge [sflag:s23], s21  }
0xa1: {  	s6 =	ssub.s32 $0x0, s21;
	[sflag:s23] =	ssyncset.done $0x0  }
0xa2: {  	[sflag:s23] =	ssyncadd.s32 s6;
	_ =	sdelay $0x1  }
0xa3: {  	s24 =	simm.s32 $0x1B8B  }
0xa4: {  	_ =	swait.ge [sflag:s24], $0x1  }
0xa5: {  	[sflag:s24] =	ssyncset.done $0x0  }
0xa6: {  	s25 =	simm.s32 $0x1B8E;
	[sflag:s24] =	ssyncadd.s32 $0xFFFFFFFF  }
0xa7: {  	s26 =	simm.s32 $execute0_lowered;
	[smem:$0x3FD2] =	sst s25  }
0xa8: {  	s6 =	sshll.u32 s26, $0x1;
	_ =	strace $0x80000046;
	[dreg:$0x1] =	wrdreg $0xFFFFFFFF  }
0xa9: {  	s28 =	simm.s32 $_size_execute0_lowered;
	s5 =	sadd.s32 s5, s6;
	[dreg:$0x0] =	wrdreg $0x0  }
0xaa: {  	s6 =	sshll.u32 s28, $0x1;
	[dreg:$0x2] =	wrdreg s5  }
0xab: {  	[dreg:$0x3] =	wrdreg s6  }
0xac: {  	[dreg:$0x4] =	wrdreg $0xC0  }
0xad: {  	_ =	task [dreg:s9], $0x5FFFF  }
0xae: {  	[dreg:$0x1] =	wrdreg $0xFFFFFFFF  }
0xaf: {  	[dreg:$0x0] =	wrdreg $0x60  }
0xb0: {  	[dreg:$0x2] =	wrdreg s2  }
0xb1: {  	[dreg:$0x3] =	wrdreg s19  }
0xb2: {  	[dreg:$0x4] =	wrdreg s4  }
0xb3: {  	[dreg:$0x5] =	wrdreg $0x1C4000  }
0xb4: {  	[dreg:$0x6] =	wrdreg $0x9  }
0xb5: {  	_ =	task.clear_ibuf [dreg:s9], $0x7FFFF;
	_ =	strace $0x90000046  }
0xb6: {  	s29 =	simm.s32 $0x9;
	_ =	strace $0x80000048  }
0xb7: {  	_ =	swait.ge [sflag:s29], $0x1  }
0xb8: {  	[sflag:s29] =	ssyncadd.s32 $0xFFFFFFFF  }
0xb9: {  	_ =	strace $0x90000048  }
0xba: {  	_ =	sfence  }
0xbb: {  	s30 =	sld [smem:$0x0];
	_ =	sdelay $0x2  }
0xbc: {  	s31 =	sshll.u32 s1, $0xD;
	s1 =	sshrl.u32 s1, $0x2  }
0xbd: {  	s3 =	sand.u32 $0x4000, s31;
	s1 =	sadd.s32 s1, s30  }
0xbe: {  	s0 =	sor.u32 s3, s0;
	s1 =	sshll.u32 s1, $0x11  }
0xbf: {  	s0 =	sor.u32 s1, s0  }
0xc0: {  	s0 =	sadd.s32 $0x8F2B, s0  }
0xc1: {  	[sflag:s0] =	ssyncadd.remote.s32 $0x1  }
0xc2: {  	_ =	sfence.sel $0xFFFF  }
0xc3: {  	[dreg:$0x0] =	wrdreg $0xFFFFFFFF;
	(pc) =	sbr.abs _section_cstart, $3  }
0xc4: {  	[dreg:$0x1] =	wrdreg $0xFFFFFFFF  }
0xc5: {  	_ =	task.clear_ibuf [dreg:s9], $0x2FFFF;
	_ =	strace $0x9FFFFFFF  }
0xc6: {  	(tm) =	ssettm $0x7FFFFFFF  }
0xc7: {  	_ =	shalt  }
tec
execute0_lowered:
.L_overlay_start_1:
0x0: {  	(tag) =	ssettag $0x1  }
0x1: {  	s4 =	rddreg [dreg:$0x0]  }
0x2: {  	s1 =	rddreg [dreg:$0x1]  }
0x3: {  	s6 =	rddreg [dreg:$0x2]  }
0x4: {  	s2 =	rddreg [dreg:$0x3]  }
0x5: {  	s0 =	rddreg [dreg:$0x4];
	s5 =	srdreg.scid  }
0x6: {  	s8 =	stileid.u32;
	s3 =	simm.s32 $0x0;
	s12 =	simm.s32 $0x3400  }
0x7: {  	s13 =	simm.s32 $0x1;
	s14 =	simm.s32 $0x2;
	s15 =	simm.s32 $0x1DD00  }
0x8: {  	s16 =	simm.s32 $0x3;
	s17 =	simm.s32 $0x0;
	s5 =	sand.u32 $0x1, s5  }
0x9: {  	s7 =	sshll.u32 s8, $0x1;
	[smem:$0x7FF] =	sst s3;
	p0 =	sne.s32 s8, $0x0  }
0xa: {  	s8 =	simm.s32 $0x400;
	s7 =	sor.u32 s5, s7;
	_ =	strace $0x80000047  }
0xb: {  	s5 =	ssub.s32 $0x2, s5;
	s11 =	sshrl.u32 @!p0 s2, $0x3;
	s9 =	sshll.u32 s7, $0x7  }
0xc: {  	s10 =	sshrl.u32 s5, $0x1;
	s7 =	sshll.u32 s7, $0x4;
	s4 =	sadd.s32 s4, s9  }
0xd: {  	s31 =	ssub.s32 s5, s10;
	s6 =	sadd.s32 s6, s7;
	s9 =	simm.s32 $0x8000  }
0xe: {  	s10 =	simm.s32 $0x3000;
	s5 =	sadd.s32 $0xC000, s4;
	s7 =	smax.u32 s31, $0x1  }
.LBB2_1:
0xf: {  	[tilespmem:s3], [sflag:$0x2] =	stream.strided.gather [hbm4b:s4+s8], $0x3000, s9, s8, $0x38;
	[tilespmem:$0x1DD80] =	vst v63  }
0x10: {  	s18 =	simm.s32 @!p0 $0x1C03  }
0x11: {  	[tilespmem:s10], [sflag:$0x2] =	stream.linear.gather [hbm4b:s5+s3], $0x200, $0x38;
	[tilespmem:$0x1DD80] =	vst v63  }
0x12: {  	[spmem:s11], [sflag:s18] =	dma.local @!p0 [hbm:s1], $0x3200  }
0x13: {  	s18 =	simm.s32 @!p0 $0x3  }
0x14: {  	_ =	swait.ge @!p0 [sflag:s18], $0x3200  }
0x15: {  	[sflag:s18] =	ssyncset.done @!p0 $0x0  }
0x16: {  	[sflag:s18] =	ssyncadd.s32 @!p0 $0xFFFFCE00  }
0x17: {  	[bflag:$0x0] =	sbarrier.arrive $0xFFFF  }
0x18: {  	[tilespmem:s12], [sflag:$0x1] =	stream.linear.gather [spmem:s2], $0x19000, $0x38;
	[tilespmem:$0x1DD80] =	vst v63  }
0x19: {  	_ =	swait.ge [sflag:s13], $0x19000  }
0x1a: {  	[sflag:s13] =	ssyncset.done $0x0  }
0x1b: {  	v8 =	vimm.f32 $0.0e+00;
	[sflag:s13] =	ssyncadd.s32 $0xFFFE7000  }
0x1c: {  	[tilespmem:$0x1BAA0] =	vst v8  }
0x1d: {  	_ =	swait.ge [sflag:s14], $0x3200  }
0x1e: {  	[sflag:s14] =	ssyncset.done $0x0  }
0x1f: {  	s31 =	simm.s32 $0x100;
	[sflag:s14] =	ssyncadd.s32 $0xFFFFCE00  }
0x20: {  	v0 =	vld [tilespmem:s31+$0x80]  }
0x21: {  	v1 =	vld [tilespmem:s31+$0x90]  }
0x22: {  	v2 =	vld [tilespmem:s31+$0xA0]  }
0x23: {  	v3 =	vld [tilespmem:s31+$0xB0]  }
0x24: {  	v4 =	vld [tilespmem:s31+$0xC0]  }
0x25: {  	v5 =	vld [tilespmem:s31+$0xD0]  }
0x26: {  	v9 =	vld [tilespmem:s31+$0xE0]  }
0x27: {  	v10 =	vld [tilespmem:s31+$0xF0]  }
0x28: {  	v6 =	vld [tilespmem:s31+$0x0]  }
0x29: {  	v7 =	vld [tilespmem:s31+$0x10]  }
0x2a: {  	v11 =	vld [tilespmem:s31+$0x20]  }
0x2b: {  	v12 =	vld [tilespmem:s31+$0x30]  }
0x2c: {  	v13 =	vld [tilespmem:s31+$0x40]  }
0x2d: {  	v14 =	vld [tilespmem:s31+$0x50]  }
0x2e: {  	v17 =	vld [tilespmem:s31+$0x60]  }
0x2f: {  	v19 =	vld [tilespmem:s31+$0x70]  }
0x30: {  	v15 =	vld [tilespmem:s31+$0xFFFFFF80]  }
0x31: {  	v16 =	vld [tilespmem:s31+$0xFFFFFF90]  }
0x32: {  	v18 =	vld [tilespmem:s31+$0xFFFFFFA0]  }
0x33: {  	v20 =	vld [tilespmem:s31+$0xFFFFFFB0]  }
0x34: {  	v21 =	vld [tilespmem:s31+$0xFFFFFFC0]  }
0x35: {  	v22 =	vld [tilespmem:s31+$0xFFFFFFD0]  }
0x36: {  	v23 =	vld [tilespmem:s31+$0xFFFFFFE0]  }
0x37: {  	v24 =	vld [tilespmem:s31+$0xFFFFFFF0]  }
0x38: {  	v25 =	vld [tilespmem:s31+$0xFFFFFF00]  }
0x39: {  	v26 =	vld [tilespmem:s31+$0xFFFFFF10]  }
0x3a: {  	v27 =	vld [tilespmem:s31+$0xFFFFFF20]  }
0x3b: {  	v28 =	vld [tilespmem:s31+$0xFFFFFF30]  }
0x3c: {  	v29 =	vld [tilespmem:s31+$0xFFFFFF40]  }
0x3d: {  	v30 =	vld [tilespmem:s31+$0xFFFFFF50]  }
0x3e: {  	v31 =	vld [tilespmem:s31+$0xFFFFFF60]  }
0x3f: {  	v32 =	vld [tilespmem:s31+$0xFFFFFF70]  }
0x40: {  	v0 =	vld.idx.msk [tilespmem:v0+s12+$0x0], $0xffff  }
0x41: {  	v1 =	vld.idx.msk [tilespmem:v1+s12+$0x0], $0xffff  }
0x42: {  	v33 =	vld.idx.msk [tilespmem:v2+s12+$0x0], $0xffff  }
0x43: {  	v34 =	vld.idx.msk [tilespmem:v3+s12+$0x0], $0xffff  }
0x44: {  	v4 =	vld.idx.msk [tilespmem:v4+s12+$0x0], $0xffff  }
0x45: {  	v3 =	vld.idx.msk [tilespmem:v5+s12+$0x0], $0xffff  }
0x46: {  	v2 =	vld.idx.msk [tilespmem:v6+s12+$0x0], $0xffff  }
0x47: {  	v5 =	vld.idx.msk [tilespmem:v7+s12+$0x0], $0xffff  }
0x48: {  	v6 =	vld.idx.msk [tilespmem:v11+s12+$0x0], $0xffff  }
0x49: {  	v7 =	vld.idx.msk [tilespmem:v12+s12+$0x0], $0xffff  }
0x4a: {  	v13 =	vld.idx.msk [tilespmem:v13+s12+$0x0], $0xffff  }
0x4b: {  	v12 =	vld.idx.msk [tilespmem:v14+s12+$0x0], $0xffff  }
0x4c: {  	v11 =	vld.idx.msk [tilespmem:v15+s12+$0x0], $0xffff  }
0x4d: {  	v16 =	vld.idx.msk [tilespmem:v16+s12+$0x0], $0xffff  }
0x4e: {  	v25 =	vld.idx.msk [tilespmem:v25+s12+$0x0], $0xffff  }
0x4f: {  	v26 =	vld.idx.msk [tilespmem:v26+s12+$0x0], $0xffff  }
0x50: {  	v27 =	vld.idx.msk [tilespmem:v27+s12+$0x0], $0xffff  }
0x51: {  	v28 =	vld.idx.msk [tilespmem:v28+s12+$0x0], $0xffff  }
0x52: {  	v18 =	vld.idx.msk [tilespmem:v18+s12+$0x0], $0xffff  }
0x53: {  	v20 =	vld.idx.msk [tilespmem:v20+s12+$0x0], $0xffff  }
0x54: {  	v14 =	vld.idx.msk [tilespmem:v21+s12+$0x0], $0xffff  }
0x55: {  	v15 =	vld.idx.msk [tilespmem:v22+s12+$0x0], $0xffff  }
0x56: {  	v59 =	vld.idx.msk [tilespmem:v29+s12+$0x0], $0xffff;
	v21 =	vadd.f32 v25, v8;
	v22 =	vadd.f32 v26, v8  }
0x57: {  	v62 =	vld.idx.msk [tilespmem:v30+s12+$0x0], $0xffff;
	v60 =	vadd.f32 v27, v8;
	v61 =	vadd.f32 v28, v8  }
0x58: {  	v63 =	vld.idx.msk [tilespmem:v31+s12+$0x0], $0xffff;
	v11 =	vadd.f32 v11, v21;
	v21 =	vadd.f32 v16, v22  }
0x59: {  	v17 =	vld.idx.msk [tilespmem:v17+s12+$0x0], $0xffff;
	v26 =	vadd.f32 v18, v60;
	v20 =	vadd.f32 v20, v61  }
0x5a: {  	v22 =	vld.idx.msk [tilespmem:v32+s12+$0x0], $0xffff;
	v2 =	vadd.f32 v2, v11;
	v11 =	vadd.f32 v5, v21  }
0x5b: {  	v16 =	vld.idx.msk [tilespmem:v23+s12+$0x0], $0xffff;
	v6 =	vadd.f32 v6, v26;
	v7 =	vadd.f32 v7, v20  }
0x5c: {  	v18 =	vld.idx.msk [tilespmem:v24+s12+$0x0], $0xffff;
	v5 =	vadd.f32 v0, v2;
	v2 =	vadd.f32 v1, v11  }
0x5d: {  	v19 =	vld.idx.msk [tilespmem:v19+s12+$0x0], $0xffff;
	v1 =	vadd.f32 v33, v6;
	v0 =	vadd.f32 v34, v7  }
0x5e: {  	v6 =	vadd.f32 v59, v8;
	v7 =	vadd.f32 v62, v8;
	v11 =	vld.idx.msk [tilespmem:v9+s12+$0x0], $0xffff  }
0x5f: {  	s19 =	simm.s32 $0x300;
	s18 =	simm.s32 $0x0;
	v20 =	vadd.f32 v63, v8;
	v9 =	vld.idx.msk [tilespmem:v10+s12+$0x0], $0xffff;
	v8 =	vadd.f32 v22, v8  }
.LBB2_2:
0x60: {  	v21 =	vld [tilespmem:s19+$0x80];
	v6 =	vadd.f32 v14, v6;
	v7 =	vadd.f32 v15, v7  }
0x61: {  	v14 =	vld [tilespmem:s19+$0x90];
	v10 =	vadd.f32 v16, v20;
	v8 =	vadd.f32 v18, v8  }
0x62: {  	v15 =	vld [tilespmem:s19+$0xA0];
	v6 =	vadd.f32 v13, v6;
	v7 =	vadd.f32 v12, v7  }
0x63: {  	v12 =	vld [tilespmem:s19+$0xB0];
	v10 =	vadd.f32 v17, v10;
	v13 =	vadd.f32 v19, v8  }
0x64: {  	v16 =	vld [tilespmem:s19+$0xC0];
	v6 =	vadd.f32 v4, v6;
	v7 =	vadd.f32 v3, v7  }
0x65: {  	v3 =	vld [tilespmem:s19+$0xD0];
	v8 =	vadd.f32 v11, v10;
	v9 =	vadd.f32 v9, v13  }
0x66: {  	v11 =	vld [tilespmem:s19+$0xE0]  }
0x67: {  	v10 =	vld [tilespmem:s19+$0xF0]  }
0x68: {  	v13 =	vld [tilespmem:s19+$0x0]  }
0x69: {  	v17 =	vld [tilespmem:s19+$0x10]  }
0x6a: {  	v18 =	vld [tilespmem:s19+$0x20]  }
0x6b: {  	v19 =	vld [tilespmem:s19+$0x30]  }
0x6c: {  	v20 =	vld [tilespmem:s19+$0x40]  }
0x6d: {  	v22 =	vld [tilespmem:s19+$0x50]  }
0x6e: {  	v23 =	vld [tilespmem:s19+$0x60]  }
0x6f: {  	v24 =	vld [tilespmem:s19+$0x70]  }
0x70: {  	v25 =	vld [tilespmem:s19+$0xFFFFFF80]  }
0x71: {  	v26 =	vld [tilespmem:s19+$0xFFFFFF90]  }
0x72: {  	v27 =	vld [tilespmem:s19+$0xFFFFFFA0]  }
0x73: {  	v28 =	vld [tilespmem:s19+$0xFFFFFFB0]  }
0x74: {  	v29 =	vld [tilespmem:s19+$0xFFFFFFC0]  }
0x75: {  	v30 =	vld [tilespmem:s19+$0xFFFFFFD0]  }
0x76: {  	v31 =	vld [tilespmem:s19+$0xFFFFFFE0]  }
0x77: {  	v32 =	vld [tilespmem:s19+$0xFFFFFFF0]  }
0x78: {  	v33 =	vld [tilespmem:s19+$0xFFFFFF00]  }
0x79: {  	v34 =	vld [tilespmem:s19+$0xFFFFFF10]  }
0x7a: {  	v35 =	vld [tilespmem:s19+$0xFFFFFF20]  }
0x7b: {  	v36 =	vld [tilespmem:s19+$0xFFFFFF30]  }
0x7c: {  	v37 =	vld [tilespmem:s19+$0xFFFFFF40]  }
0x7d: {  	v38 =	vld [tilespmem:s19+$0xFFFFFF50]  }
0x7e: {  	v39 =	vld [tilespmem:s19+$0xFFFFFF60]  }
0x7f: {  	v40 =	vld [tilespmem:s19+$0xFFFFFF70]  }
0x80: {  	v21 =	vld.idx.msk [tilespmem:v21+s12+$0x0], $0xffff  }
0x81: {  	v41 =	vld.idx.msk [tilespmem:v14+s12+$0x0], $0xffff  }
0x82: {  	v42 =	vld.idx.msk [tilespmem:v15+s12+$0x0], $0xffff  }
0x83: {  	v43 =	vld.idx.msk [tilespmem:v12+s12+$0x0], $0xffff  }
0x84: {  	v4 =	vld.idx.msk [tilespmem:v16+s12+$0x0], $0xffff  }
0x85: {  	v3 =	vld.idx.msk [tilespmem:v3+s12+$0x0], $0xffff  }
0x86: {  	v44 =	vld.idx.msk [tilespmem:v13+s12+$0x0], $0xffff  }
0x87: {  	v17 =	vld.idx.msk [tilespmem:v17+s12+$0x0], $0xffff  }
0x88: {  	v45 =	vld.idx.msk [tilespmem:v18+s12+$0x0], $0xffff  }
0x89: {  	v19 =	vld.idx.msk [tilespmem:v19+s12+$0x0], $0xffff  }
0x8a: {  	v13 =	vld.idx.msk [tilespmem:v20+s12+$0x0], $0xffff  }
0x8b: {  	v12 =	vld.idx.msk [tilespmem:v22+s12+$0x0], $0xffff  }
0x8c: {  	v16 =	vld.idx.msk [tilespmem:v25+s12+$0x0], $0xffff  }
0x8d: {  	v18 =	vld.idx.msk [tilespmem:v26+s12+$0x0], $0xffff  }
0x8e: {  	v20 =	vld.idx.msk [tilespmem:v33+s12+$0x0], $0xffff  }
0x8f: {  	v22 =	vld.idx.msk [tilespmem:v34+s12+$0x0], $0xffff  }
0x90: {  	v25 =	vld.idx.msk [tilespmem:v35+s12+$0x0], $0xffff  }
0x91: {  	s18 =	sadd.s32 $0x4, s18;
	v26 =	vld.idx.msk [tilespmem:v36+s12+$0x0], $0xffff  }
0x92: {  	p1 =	slt.u32 s18, $0x60;
	v27 =	vld.idx.msk [tilespmem:v27+s12+$0x0], $0xffff  }
0x93: {  	v28 =	vld.idx.msk [tilespmem:v28+s12+$0x0], $0xffff  }
0x94: {  	v14 =	vld.idx.msk [tilespmem:v29+s12+$0x0], $0xffff  }
0x95: {  	v15 =	vld.idx.msk [tilespmem:v30+s12+$0x0], $0xffff  }
0x96: {  	v5 =	vadd.f32 v20, v5;
	v2 =	vadd.f32 v22, v2;
	v20 =	vld.idx.msk [tilespmem:v37+s12+$0x0], $0xffff  }
0x97: {  	v1 =	vadd.f32 v25, v1;
	v0 =	vadd.f32 v26, v0;
	v22 =	vld.idx.msk [tilespmem:v38+s12+$0x0], $0xffff  }
0x98: {  	v5 =	vadd.f32 v16, v5;
	v2 =	vadd.f32 v18, v2;
	v25 =	vld.idx.msk [tilespmem:v39+s12+$0x0], $0xffff  }
0x99: {  	v1 =	vadd.f32 v27, v1;
	v0 =	vadd.f32 v28, v0;
	v26 =	vld.idx.msk [tilespmem:v40+s12+$0x0], $0xffff  }
0x9a: {  	v5 =	vadd.f32 v44, v5;
	v2 =	vadd.f32 v17, v2;
	v16 =	vld.idx.msk [tilespmem:v31+s12+$0x0], $0xffff  }
.Ltmp0:
0x9b: {  	v1 =	vadd.f32 v45, v1;
	v0 =	vadd.f32 v19, v0;
	v18 =	vld.idx.msk [tilespmem:v32+s12+$0x0], $0xffff;
	(pc) =	sbr.rel @p1 .LBB2_2-.Ltmp0, $4  }
0x9c: {  	v5 =	vadd.f32 v21, v5;
	v2 =	vadd.f32 v41, v2;
	v17 =	vld.idx.msk [tilespmem:v23+s12+$0x0], $0xffff  }
0x9d: {  	v1 =	vadd.f32 v42, v1;
	v0 =	vadd.f32 v43, v0;
	v19 =	vld.idx.msk [tilespmem:v24+s12+$0x0], $0xffff  }
0x9e: {  	v6 =	vadd.f32 v20, v6;
	v7 =	vadd.f32 v22, v7;
	v11 =	vld.idx.msk [tilespmem:v11+s12+$0x0], $0xffff  }
0x9f: {  	s19 =	sadd.s32 $0x200, s19;
	v20 =	vadd.f32 v25, v8;
	v8 =	vadd.f32 v26, v9;
	v9 =	vld.idx.msk [tilespmem:v10+s12+$0x0], $0xffff  }
0xa0: {  	v6 =	vadd.f32 v14, v6  }
0xa1: {  	v7 =	vadd.f32 v15, v7  }
0xa2: {  	[tilespmem:$0x1DD00] =	vst v5;
	v10 =	vadd.f32 v16, v20;
	v6 =	vadd.f32 v13, v6  }
0xa3: {  	[tilespmem:$0x1DD10] =	vst v2;
	v60 =	vadd.f32 v18, v8;
	v7 =	vadd.f32 v12, v7  }
0xa4: {  	[tilespmem:$0x1DD20] =	vst v1;
	v61 =	vadd.f32 v17, v10;
	v4 =	vadd.f32 v4, v6  }
0xa5: {  	[tilespmem:$0x1DD30] =	vst v0;
	v62 =	vadd.f32 v19, v60;
	v3 =	vadd.f32 v3, v7  }
0xa6: {  	v63 =	vadd.f32 v11, v61;
	[tilespmem:$0x1DD40] =	vst v4  }
0xa7: {  	s17 =	sadd.s32 $0x1, s17;
	v1 =	vadd.f32 v9, v62;
	[tilespmem:$0x1DD50] =	vst v3  }
0xa8: {  	p1 =	sne.s32 s17, s7;
	[tilespmem:$0x1DD60] =	vst v63  }
.Ltmp1:
0xa9: {  	[tilespmem:$0x1DD70] =	vst v1;
	(pc) =	sbr.rel @p1 .LBB2_1-.Ltmp1, $4  }
0xaa: {  	[hbm4b:s6+s3] =	stream.linear.scatter [tilespmem:s15], [sflag:$0x3], $0x80, $0x38;
	[tilespmem:$0x1DD80] =	vst v63  }
0xab: {  	_ =	swait.ge [sflag:s16], $0x80  }
0xac: {  	[sflag:s16] =	ssyncset.done $0x0  }
0xad: {  	[sflag:s16] =	ssyncadd.s32 $0xFFFFFF80  }
0xae: {  	_ =	sfence.sel $0x180000  }
0xaf: {  	[bflag:$0x0] =	sbarrier.arrive $0xFFFF  }
0xb0: {  	_ =	strace $0x90000047  }
0xb1: {  	s0 =	sadd.s32 @!p0 $0x100000, s0;
	[bflag:$0x2] =	sbarrier.arrive $0xFFFF  }
0xb2: {  	[sflag:s0] =	ssyncadd.tile.s32 @!p0 $0x1;
	_ =	shalt  }
.Lfunc_end2:
_tile_overlayer_lowered:
.L_overlay_start_2:
0xb3: {  	(tag) =	ssettag $0x2  }
0xb4: {  	s0 =	rddreg [dreg:$0x0];
	s2 =	stileid.u32  }
0xb5: {  	s1 =	rddreg [dreg:$0x1];
	p0 =	sne.s32 s2, $0x0  }
0xb6: {  	s3 =	rddreg [dreg:$0x2];
	[bflag:$0x3] =	sbarrier.arrive $0xFFFF;
	s2 =	simm.s32 @!p0 $0x1C03  }
0xb7: {  	[timem:s3], [sflag:s2] =	dma.local @!p0 [hbm:s0], s1  }
0xb8: {  	s0 =	simm.s32 @!p0 $0x3  }
0xb9: {  	_ =	swait.ge @!p0 [sflag:s0], s1  }
0xba: {  	s1 =	ssub.s32 @!p0 $0x0, s1;
	[sflag:s0] =	ssyncset.done @!p0 $0x0  }
0xbb: {  	[sflag:s0] =	ssyncadd.s32 @!p0 s1  }
0xbc: {  	[bflag:$0x3] =	sbarrier.arrive $0xFFFF  }
0xbd: {  	_ =	shalt  }

</sc_bundles>
